<compile_context>
chip_gen: v7x
topology: tpu7x:2x2x1
jax: 0.10.2.dev20260603
libtpu: 0.0.44.dev20260713+nightly
codegen_flags: <defaults>
</compile_context>

<pallas_src>
import functools

import jax
import jax.numpy as jnp
from jax import lax
from jax.experimental import pallas as pl
from jax.experimental.pallas import tpu as pltpu
from jax.experimental.pallas import tpu_sc as plsc


def _sc_logits(np3, rg3, m_idx, p_idx, eta_bg, meta_flat, pers_flat,
               *, NW, NC, n_sub, chunk, N):
    mesh = plsc.VectorSubcoreMesh(core_axis_name="c", subcore_axis_name="s")

    def body(np_hbm, rg_hbm, m_hbm, p_hbm, bg_hbm, meta_hbm, pers_hbm,
             out_hbm, npv, rv, cv, dv, av, bgv, mev, pev,
             sem_a, sem_b, sem_c):
        wid = lax.axis_index("s") * NC + lax.axis_index("c")

        pltpu.sync_copy(np_hbm.at[wid], npv)
        pltpu.sync_copy(rg_hbm.at[wid], rv)

        def fire_exp(j, carry):
            pltpu.make_async_copy(m_hbm.at[rv.at[j]], cv.at[j], sem_a).start()
            pltpu.make_async_copy(p_hbm.at[rv.at[j]], dv.at[j], sem_b).start()
            return carry

        lax.fori_loop(0, n_sub, fire_exp, 0)

        def drain_exp(j, carry):
            pltpu.make_async_copy(m_hbm.at[rv.at[j]], cv.at[j], sem_a).wait()
            pltpu.make_async_copy(p_hbm.at[rv.at[j]], dv.at[j], sem_b).wait()
            return carry

        lax.fori_loop(0, n_sub, drain_exp, 0)

        def build(i, carry):
            r = i // 8
            c = (i % 8) * 16
            n = npv[r, pl.ds(c, 16)]
            rv[r, pl.ds(c, 16)] = cv[r, pl.ds(c, 16)] * N + n
            av[r, pl.ds(c, 16)] = dv[r, pl.ds(c, 16)] * N + n
            return carry

        lax.fori_loop(0, chunk // 16, build, 0)

        def fire(j, carry):
            pltpu.make_async_copy(bg_hbm.at[npv.at[j]], bgv.at[j], sem_a).start()
            pltpu.make_async_copy(meta_hbm.at[rv.at[j]], mev.at[j], sem_b).start()
            pltpu.make_async_copy(pers_hbm.at[av.at[j]], pev.at[j], sem_c).start()
            return carry

        lax.fori_loop(0, n_sub, fire, 0)

        def drain(j, carry):
            pltpu.make_async_copy(bg_hbm.at[npv.at[j]], bgv.at[j], sem_a).wait()
            pltpu.make_async_copy(meta_hbm.at[rv.at[j]], mev.at[j], sem_b).wait()
            pltpu.make_async_copy(pers_hbm.at[av.at[j]], pev.at[j], sem_c).wait()
            return carry

        lax.fori_loop(0, n_sub, drain, 0)

        def sumi(i, carry):
            r = i // 8
            c = (i % 8) * 16
            bgv[r, pl.ds(c, 16)] = (bgv[r, pl.ds(c, 16)]
                                    + mev[r, pl.ds(c, 16)]
                                    + pev[r, pl.ds(c, 16)])
            return carry

        lax.fori_loop(0, chunk // 16, sumi, 0)

        pltpu.sync_copy(bgv, out_hbm.at[wid])

    run = pl.kernel(
        body,
        out_type=jax.ShapeDtypeStruct((NW, n_sub, 128), jnp.float32),
        mesh=mesh,
        scratch_types=[
            pltpu.VMEM((n_sub, 128), jnp.int32),
            pltpu.VMEM((n_sub, 128), jnp.int32),
            pltpu.VMEM((n_sub, 128), jnp.int32),
            pltpu.VMEM((n_sub, 128), jnp.int32),
            pltpu.VMEM((n_sub, 128), jnp.int32),
            pltpu.VMEM((n_sub, 128), jnp.float32),
            pltpu.VMEM((n_sub, 128), jnp.float32),
            pltpu.VMEM((n_sub, 128), jnp.float32),
            pltpu.SemaphoreType.DMA,
            pltpu.SemaphoreType.DMA,
            pltpu.SemaphoreType.DMA,
        ],
    )
    return run(np3, rg3, m_idx, p_idx, eta_bg, meta_flat, pers_flat)


def _tc_combine(logits, node_signs, node_paths):
    B, L = node_signs.shape
    blk = 1024
    grid = B // blk

    def body(lg_ref, sg_ref, np_ref, out_ref):
        x = sg_ref[...] * lg_ref[...]
        mask = (np_ref[...] != -1).astype(jnp.float32)
        lp = (jnp.minimum(x, 0.0) - jnp.log1p(jnp.exp(-jnp.abs(x)))) * mask
        out_ref[...] = jnp.sum(lp, axis=1, keepdims=True)

    out = pl.pallas_call(
        body,
        grid=(grid,),
        in_specs=[
            pl.BlockSpec((blk, L), lambda i: (i, 0)),
            pl.BlockSpec((blk, L), lambda i: (i, 0)),
            pl.BlockSpec((blk, L), lambda i: (i, 0)),
        ],
        out_specs=pl.BlockSpec((blk, 1), lambda i: (i, 0)),
        out_shape=jax.ShapeDtypeStruct((B, 1), jnp.float32),
    )(logits, node_signs, node_paths)
    return out.reshape(B)


def kernel(m_idx, p_idx, node_paths, node_signs, eta_bg, eta_meta, eta_pers):
    B, L = node_paths.shape
    M, N = eta_meta.shape
    info = plsc.get_sparse_core_info()
    NC, NS = info.num_cores, info.num_subcores
    NW = NC * NS
    chunk = (B * L) // NW
    n_sub = chunk // 128

    np3 = node_paths.reshape(NW, n_sub, 128)
    rg3 = (jnp.arange(B * L, dtype=jnp.int32) // L).reshape(NW, n_sub, 128)
    meta_flat = eta_meta.reshape(-1)
    pers_flat = eta_pers.reshape(-1)

    logits3 = _sc_logits(np3, rg3, m_idx, p_idx, eta_bg, meta_flat,
                         pers_flat, NW=NW, NC=NC, n_sub=n_sub,
                         chunk=chunk, N=N)
    logits = logits3.reshape(B, L)
    return _tc_combine(logits, node_signs, node_paths)

# --- scband reference (transcript-rebuilt; emitter-appended) ---
"""Pipeline reference for scband-hierarchical-sage-1546188226875 (READ-ONLY COPY).

The authoritative reference and input builder live on the scoring server;
editing this copy changes nothing except your own understanding.
"""

import jax, jax.numpy as jnp
import numpy as np

M, P, N = 100, 1000, 100000
B, L = 16384, 20

def setup_inputs(seed: int = 0) -> dict:
    key = jax.random.key(seed)
    k1, k2, k3, k4, k5, k6, k7 = jax.random.split(key, 7)
    m_idx = jax.random.randint(k1, (B,), 0, M, dtype=jnp.int32)
    p_idx = jax.random.randint(k2, (B,), 0, P, dtype=jnp.int32)
    node_paths = jax.random.randint(k3, (B, L), 0, N, dtype=jnp.int32)
    node_signs = jax.random.normal(k4, (B, L), dtype=jnp.float32)
    eta_bg = jax.random.normal(k5, (N,), dtype=jnp.float32) * 0.01
    eta_meta = jax.random.normal(k6, (M, N), dtype=jnp.float32) * 0.01
    eta_pers = jax.random.normal(k7, (P, N), dtype=jnp.float32) * 0.01
    return {"m_idx": m_idx, "p_idx": p_idx, "node_paths": node_paths,
            "node_signs": node_signs, "eta_bg": eta_bg,
            "eta_meta": eta_meta, "eta_pers": eta_pers}

def reference(m_idx, p_idx, node_paths, node_signs, eta_bg, eta_meta, eta_pers):
    max_path_len = node_paths.shape[1]
    m_idx_expanded = jnp.broadcast_to(m_idx[:, None], (m_idx.shape[0], max_path_len))
    p_idx_expanded = jnp.broadcast_to(p_idx[:, None], (p_idx.shape[0], max_path_len))
    bg = eta_bg[node_paths]
    meta = eta_meta[m_idx_expanded, node_paths]
    pers = eta_pers[p_idx_expanded, node_paths]
    logits = bg + meta + pers
    path_mask = (node_paths != -1).astype(jnp.float32)
    log_probs = jax.nn.log_sigmoid(node_signs * logits) * path_mask
    word_log_probs = log_probs.sum(axis=1)
    return word_log_probs

if __name__ == "__main__":
    import jax
    _d = setup_inputs()
    print(jax.jit(kernel)(*tuple(_d.values())))

</pallas_src>

<mosaic_0001>
#map = affine_map<(d0, d1) -> (0, 0, 0)>
#map1 = affine_map<(d0, d1) -> (0)>
module attributes {stable_mosaic.version = 14 : i64} {
  func.func @body(%arg0: i32, %arg1: i32, %arg2: memref<32x80x128xi32, #tpu.memory_space<hbm>>, %arg3: memref<32x80x128xi32, #tpu.memory_space<hbm>>, %arg4: memref<16384xi32, #tpu.memory_space<hbm>>, %arg5: memref<16384xi32, #tpu.memory_space<hbm>>, %arg6: memref<100000xf32, #tpu.memory_space<hbm>>, %arg7: memref<10000000xf32, #tpu.memory_space<hbm>>, %arg8: memref<100000000xf32, #tpu.memory_space<hbm>>, %arg9: memref<32x80x128xf32, #tpu.memory_space<hbm>>, %arg10: memref<80x128xi32, #tpu.memory_space<vmem>>, %arg11: memref<80x128xi32, #tpu.memory_space<vmem>>, %arg12: memref<80x128xi32, #tpu.memory_space<vmem>>, %arg13: memref<80x128xi32, #tpu.memory_space<vmem>>, %arg14: memref<80x128xi32, #tpu.memory_space<vmem>>, %arg15: memref<80x128xf32, #tpu.memory_space<vmem>>, %arg16: memref<80x128xf32, #tpu.memory_space<vmem>>, %arg17: memref<80x128xf32, #tpu.memory_space<vmem>>, %arg18: memref<!tpu.dma_semaphore, #tpu.memory_space<semaphore_mem>>, %arg19: memref<!tpu.dma_semaphore, #tpu.memory_space<semaphore_mem>>, %arg20: memref<!tpu.dma_semaphore, #tpu.memory_space<semaphore_mem>>) attributes {dimension_semantics = [#tpu.dimension_semantics<core_parallel>, #tpu.dimension_semantics<subcore_parallel>], iteration_bounds = array<i64: 2, 16>, scalar_prefetch = 0 : i64, scratch_operands = 11 : i64, tpu.core_type = #tpu.core_type<sc_vector_subcore>, window_params = [{transform_indices = #map}, {transform_indices = #map}, {transform_indices = #map1}, {transform_indices = #map1}, {transform_indices = #map1}, {transform_indices = #map1}, {transform_indices = #map1}, {transform_indices = #map}]} {
    %mul3A = arith.constant 2 : i32
    %mul3A_0 = arith.muli %arg1, %mul3A : i32
    %add3A = arith.addi %mul3A_0, %arg0 : i32
    "tpu.region"() ({
      %run_scoped3A = tpu.sem_alloc : memref<!tpu.dma_semaphore, #tpu.memory_space<semaphore_mem>>
      %dma_start3A = arith.constant 0 : i32
      %dma_start3A_36 = arith.constant 0 : i32
      %dma_start3A_37 = tpu.memref_slice %arg2[%add3A, %dma_start3A, %dma_start3A_36] : memref<32x80x128xi32, #tpu.memory_space<hbm>> -> memref<1x80x128xi32, #tpu.memory_space<hbm>>
      %dma_start3A_38 = tpu.memref_squeeze %dma_start3A_37 : memref<1x80x128xi32, #tpu.memory_space<hbm>> -> memref<80x128xi32, #tpu.memory_space<hbm>>
      %dma_start3A_39 = arith.constant 0 : i32
      %dma_start3A_40 = arith.constant 0 : i32
      %dma_start3A_41 = tpu.memref_slice %arg2[%add3A, %dma_start3A_39, %dma_start3A_40] : memref<32x80x128xi32, #tpu.memory_space<hbm>> -> memref<1x80x128xi32, #tpu.memory_space<hbm>>
      %dma_start3A_42 = tpu.memref_squeeze %dma_start3A_41 : memref<1x80x128xi32, #tpu.memory_space<hbm>> -> memref<80x128xi32, #tpu.memory_space<hbm>>
      tpu.enqueue_dma source(%dma_start3A_42 : memref<80x128xi32, #tpu.memory_space<hbm>>) target(%arg10 : memref<80x128xi32, #tpu.memory_space<vmem>>) target_semaphore(%run_scoped3A : memref<!tpu.dma_semaphore, #tpu.memory_space<semaphore_mem>>)
      %dma_wait3A = arith.constant 0 : i32
      %dma_wait3A_43 = arith.constant 0 : i32
      %dma_wait3A_44 = tpu.memref_slice %arg2[%add3A, %dma_wait3A, %dma_wait3A_43] : memref<32x80x128xi32, #tpu.memory_space<hbm>> -> memref<1x80x128xi32, #tpu.memory_space<hbm>>
      %dma_wait3A_45 = tpu.memref_squeeze %dma_wait3A_44 : memref<1x80x128xi32, #tpu.memory_space<hbm>> -> memref<80x128xi32, #tpu.memory_space<hbm>>
      %dma_wait3A_46 = arith.constant 0 : i32
      %dma_wait3A_47 = arith.constant 0 : i32
      %dma_wait3A_48 = tpu.memref_slice %arg2[%add3A, %dma_wait3A_46, %dma_wait3A_47] : memref<32x80x128xi32, #tpu.memory_space<hbm>> -> memref<1x80x128xi32, #tpu.memory_space<hbm>>
      %dma_wait3A_49 = tpu.memref_squeeze %dma_wait3A_48 : memref<1x80x128xi32, #tpu.memory_space<hbm>> -> memref<80x128xi32, #tpu.memory_space<hbm>>
      tpu.wait_dma2 semaphore(%run_scoped3A : memref<!tpu.dma_semaphore, #tpu.memory_space<semaphore_mem>>) src(%dma_wait3A_49 : memref<80x128xi32, #tpu.memory_space<hbm>>) dst(%arg10 : memref<80x128xi32, #tpu.memory_space<vmem>>)
      tpu.yield
    }) : () -> ()
    "tpu.region"() ({
      %run_scoped3A = tpu.sem_alloc : memref<!tpu.dma_semaphore, #tpu.memory_space<semaphore_mem>>
      %dma_start3A = arith.constant 0 : i32
      %dma_start3A_36 = arith.constant 0 : i32
      %dma_start3A_37 = tpu.memref_slice %arg3[%add3A, %dma_start3A, %dma_start3A_36] : memref<32x80x128xi32, #tpu.memory_space<hbm>> -> memref<1x80x128xi32, #tpu.memory_space<hbm>>
      %dma_start3A_38 = tpu.memref_squeeze %dma_start3A_37 : memref<1x80x128xi32, #tpu.memory_space<hbm>> -> memref<80x128xi32, #tpu.memory_space<hbm>>
      %dma_start3A_39 = arith.constant 0 : i32
      %dma_start3A_40 = arith.constant 0 : i32
      %dma_start3A_41 = tpu.memref_slice %arg3[%add3A, %dma_start3A_39, %dma_start3A_40] : memref<32x80x128xi32, #tpu.memory_space<hbm>> -> memref<1x80x128xi32, #tpu.memory_space<hbm>>
      %dma_start3A_42 = tpu.memref_squeeze %dma_start3A_41 : memref<1x80x128xi32, #tpu.memory_space<hbm>> -> memref<80x128xi32, #tpu.memory_space<hbm>>
      tpu.enqueue_dma source(%dma_start3A_42 : memref<80x128xi32, #tpu.memory_space<hbm>>) target(%arg11 : memref<80x128xi32, #tpu.memory_space<vmem>>) target_semaphore(%run_scoped3A : memref<!tpu.dma_semaphore, #tpu.memory_space<semaphore_mem>>)
      %dma_wait3A = arith.constant 0 : i32
      %dma_wait3A_43 = arith.constant 0 : i32
      %dma_wait3A_44 = tpu.memref_slice %arg3[%add3A, %dma_wait3A, %dma_wait3A_43] : memref<32x80x128xi32, #tpu.memory_space<hbm>> -> memref<1x80x128xi32, #tpu.memory_space<hbm>>
      %dma_wait3A_45 = tpu.memref_squeeze %dma_wait3A_44 : memref<1x80x128xi32, #tpu.memory_space<hbm>> -> memref<80x128xi32, #tpu.memory_space<hbm>>
      %dma_wait3A_46 = arith.constant 0 : i32
      %dma_wait3A_47 = arith.constant 0 : i32
      %dma_wait3A_48 = tpu.memref_slice %arg3[%add3A, %dma_wait3A_46, %dma_wait3A_47] : memref<32x80x128xi32, #tpu.memory_space<hbm>> -> memref<1x80x128xi32, #tpu.memory_space<hbm>>
      %dma_wait3A_49 = tpu.memref_squeeze %dma_wait3A_48 : memref<1x80x128xi32, #tpu.memory_space<hbm>> -> memref<80x128xi32, #tpu.memory_space<hbm>>
      tpu.wait_dma2 semaphore(%run_scoped3A : memref<!tpu.dma_semaphore, #tpu.memory_space<semaphore_mem>>) src(%dma_wait3A_49 : memref<80x128xi32, #tpu.memory_space<hbm>>) dst(%arg11 : memref<80x128xi32, #tpu.memory_space<vmem>>)
      tpu.yield
    }) : () -> ()
    %scan3A = arith.constant 0 : i32
    %scan3A_1 = arith.constant 0 : i32
    %scan3A_2 = arith.constant 80 : i32
    %scan3A_3 = arith.addi %scan3A_1, %scan3A_2 : i32
    %scan3A_4 = arith.constant 1 : i32
    scf.for %scan3A_36 = %scan3A_1 to %scan3A_3 step %scan3A_4  : i32 {
      %dma_start3A = arith.constant 0 : i32
      %dma_start3A_37 = tpu.memref_slice %arg12[%scan3A_36, %dma_start3A] : memref<80x128xi32, #tpu.memory_space<vmem>> -> memref<1x128xi32, #tpu.memory_space<vmem>>
      %dma_start3A_38 = tpu.memref_squeeze %dma_start3A_37 : memref<1x128xi32, #tpu.memory_space<vmem>> -> memref<128xi32, #tpu.memory_space<vmem>>
      %dma_start3A_39 = arith.constant 0 : i32
      %dma_start3A_40 = tpu.memref_slice %arg11[%scan3A_36, %dma_start3A_39] : memref<80x128xi32, #tpu.memory_space<vmem>> -> memref<1x128xi32, #tpu.memory_space<vmem>>
      %dma_start3A_41 = tpu.memref_squeeze %dma_start3A_40 : memref<1x128xi32, #tpu.memory_space<vmem>> -> memref<128xi32, #tpu.memory_space<vmem>>
      %dma_start3A_42 = arith.constant 0 : i32
      %dma_start3A_43 = tpu.memref_slice %arg4[%dma_start3A_42] : memref<16384xi32, #tpu.memory_space<hbm>> -> memref<16384xi32, #tpu.memory_space<hbm>>
      tpu.enqueue_indirect_dma source(%dma_start3A_43 : memref<16384xi32, #tpu.memory_space<hbm>>) target(%dma_start3A_38 : memref<128xi32, #tpu.memory_space<vmem>>) offsets(%dma_start3A_41 : memref<128xi32, #tpu.memory_space<vmem>>) semaphore(%arg18 : memref<!tpu.dma_semaphore, #tpu.memory_space<semaphore_mem>>)
      %dma_start3A_44 = arith.constant 0 : i32
      %dma_start3A_45 = tpu.memref_slice %arg13[%scan3A_36, %dma_start3A_44] : memref<80x128xi32, #tpu.memory_space<vmem>> -> memref<1x128xi32, #tpu.memory_space<vmem>>
      %dma_start3A_46 = tpu.memref_squeeze %dma_start3A_45 : memref<1x128xi32, #tpu.memory_space<vmem>> -> memref<128xi32, #tpu.memory_space<vmem>>
      %dma_start3A_47 = arith.constant 0 : i32
      %dma_start3A_48 = tpu.memref_slice %arg11[%scan3A_36, %dma_start3A_47] : memref<80x128xi32, #tpu.memory_space<vmem>> -> memref<1x128xi32, #tpu.memory_space<vmem>>
      %dma_start3A_49 = tpu.memref_squeeze %dma_start3A_48 : memref<1x128xi32, #tpu.memory_space<vmem>> -> memref<128xi32, #tpu.memory_space<vmem>>
      %dma_start3A_50 = arith.constant 0 : i32
      %dma_start3A_51 = tpu.memref_slice %arg5[%dma_start3A_50] : memref<16384xi32, #tpu.memory_space<hbm>> -> memref<16384xi32, #tpu.memory_space<hbm>>
      tpu.enqueue_indirect_dma source(%dma_start3A_51 : memref<16384xi32, #tpu.memory_space<hbm>>) target(%dma_start3A_46 : memref<128xi32, #tpu.memory_space<vmem>>) offsets(%dma_start3A_49 : memref<128xi32, #tpu.memory_space<vmem>>) semaphore(%arg19 : memref<!tpu.dma_semaphore, #tpu.memory_space<semaphore_mem>>)
    }
    %scan3A_5 = arith.constant 80 : i32
    %scan3A_6 = arith.constant 0 : i32
    %scan3A_7 = arith.constant 0 : i32
    %scan3A_8 = arith.constant 80 : i32
    %scan3A_9 = arith.addi %scan3A_7, %scan3A_8 : i32
    %scan3A_10 = arith.constant 1 : i32
    scf.for %scan3A_36 = %scan3A_7 to %scan3A_9 step %scan3A_10  : i32 {
      %dma_wait3A = arith.constant 0 : i32
      %dma_wait3A_37 = tpu.memref_slice %arg12[%scan3A_36, %dma_wait3A] : memref<80x128xi32, #tpu.memory_space<vmem>> -> memref<1x128xi32, #tpu.memory_space<vmem>>
      %dma_wait3A_38 = tpu.memref_squeeze %dma_wait3A_37 : memref<1x128xi32, #tpu.memory_space<vmem>> -> memref<128xi32, #tpu.memory_space<vmem>>
      %dma_wait3A_39 = arith.constant 0 : i32
      %dma_wait3A_40 = tpu.memref_slice %arg11[%scan3A_36, %dma_wait3A_39] : memref<80x128xi32, #tpu.memory_space<vmem>> -> memref<1x128xi32, #tpu.memory_space<vmem>>
      %dma_wait3A_41 = tpu.memref_squeeze %dma_wait3A_40 : memref<1x128xi32, #tpu.memory_space<vmem>> -> memref<128xi32, #tpu.memory_space<vmem>>
      %dma_wait3A_42 = arith.constant 0 : i32
      %dma_wait3A_43 = tpu.memref_slice %arg4[%dma_wait3A_42] : memref<16384xi32, #tpu.memory_space<hbm>> -> memref<16384xi32, #tpu.memory_space<hbm>>
      tpu.wait_indirect_dma semaphore(%arg18 : memref<!tpu.dma_semaphore, #tpu.memory_space<semaphore_mem>>) src(%dma_wait3A_43 : memref<16384xi32, #tpu.memory_space<hbm>>) dst(%dma_wait3A_38 : memref<128xi32, #tpu.memory_space<vmem>>)
      %dma_wait3A_44 = arith.constant 0 : i32
      %dma_wait3A_45 = tpu.memref_slice %arg13[%scan3A_36, %dma_wait3A_44] : memref<80x128xi32, #tpu.memory_space<vmem>> -> memref<1x128xi32, #tpu.memory_space<vmem>>
      %dma_wait3A_46 = tpu.memref_squeeze %dma_wait3A_45 : memref<1x128xi32, #tpu.memory_space<vmem>> -> memref<128xi32, #tpu.memory_space<vmem>>
      %dma_wait3A_47 = arith.constant 0 : i32
      %dma_wait3A_48 = tpu.memref_slice %arg11[%scan3A_36, %dma_wait3A_47] : memref<80x128xi32, #tpu.memory_space<vmem>> -> memref<1x128xi32, #tpu.memory_space<vmem>>
      %dma_wait3A_49 = tpu.memref_squeeze %dma_wait3A_48 : memref<1x128xi32, #tpu.memory_space<vmem>> -> memref<128xi32, #tpu.memory_space<vmem>>
      %dma_wait3A_50 = arith.constant 0 : i32
      %dma_wait3A_51 = tpu.memref_slice %arg5[%dma_wait3A_50] : memref<16384xi32, #tpu.memory_space<hbm>> -> memref<16384xi32, #tpu.memory_space<hbm>>
      tpu.wait_indirect_dma semaphore(%arg19 : memref<!tpu.dma_semaphore, #tpu.memory_space<semaphore_mem>>) src(%dma_wait3A_51 : memref<16384xi32, #tpu.memory_space<hbm>>) dst(%dma_wait3A_46 : memref<128xi32, #tpu.memory_space<vmem>>)
    }
    %scan3A_11 = arith.constant 80 : i32
    %scan3A_12 = arith.constant 0 : i32
    %scan3A_13 = arith.constant 0 : i32
    %scan3A_14 = arith.constant 640 : i32
    %scan3A_15 = arith.addi %scan3A_13, %scan3A_14 : i32
    %scan3A_16 = arith.constant 1 : i32
    scf.for %scan3A_36 = %scan3A_13 to %scan3A_15 step %scan3A_16  : i32 {
      %jit3A = arith.constant 8 : i32
      %div3A = arith.divsi %scan3A_36, %jit3A : i32
      %sign3A = arith.constant 0 : i32
      %sign3A_37 = arith.cmpi sgt, %scan3A_36, %sign3A : i32
      %sign3A_38 = arith.extui %sign3A_37 : i1 to i32
      %sign3A_39 = arith.constant 0 : i32
      %sign3A_40 = arith.cmpi slt, %scan3A_36, %sign3A_39 : i32
      %sign3A_41 = arith.extui %sign3A_40 : i1 to i32
      %sign3A_42 = arith.subi %sign3A_38, %sign3A_41 : i32
      %sign3A_43 = arith.constant 0 : i32
      %sign3A_44 = arith.cmpi sgt, %jit3A, %sign3A_43 : i32
      %sign3A_45 = arith.extui %sign3A_44 : i1 to i32
      %sign3A_46 = arith.constant 0 : i32
      %sign3A_47 = arith.cmpi slt, %jit3A, %sign3A_46 : i32
      %sign3A_48 = arith.extui %sign3A_47 : i1 to i32
      %sign3A_49 = arith.subi %sign3A_45, %sign3A_48 : i32
      %ne3A = arith.cmpi ne, %sign3A_42, %sign3A_49 : i32
      %rem3A = arith.remsi %scan3A_36, %jit3A : i32
      %ne3A_50 = arith.constant 0 : i32
      %ne3A_51 = arith.cmpi ne, %rem3A, %ne3A_50 : i32
      %and3A = arith.andi %ne3A, %ne3A_51 : i1
      %sub3A = arith.constant 1 : i32
      %sub3A_52 = arith.subi %div3A, %sub3A : i32
      %select_n3A = arith.select %and3A, %sub3A_52, %div3A : i32
      %jit3A_53 = arith.constant 8 : i32
      %eq3A = arith.constant 0 : i32
      %eq3A_54 = arith.cmpi eq, %jit3A_53, %eq3A : i32
      %jit3A_55 = arith.constant 1 : i32
      %select_n3A_56 = arith.select %eq3A_54, %jit3A_55, %jit3A_53 : i32
      %rem3A_57 = arith.remsi %scan3A_36, %select_n3A_56 : i32
      %ne3A_58 = arith.constant 0 : i32
      %ne3A_59 = arith.cmpi ne, %rem3A_57, %ne3A_58 : i32
      %lt3A = arith.constant 0 : i32
      %lt3A_60 = arith.cmpi slt, %rem3A_57, %lt3A : i32
      %lt3A_61 = arith.constant 0 : i32
      %lt3A_62 = arith.cmpi slt, %select_n3A_56, %lt3A_61 : i32
      %ne3A_63 = arith.xori %lt3A_60, %lt3A_62 : i1
      %and3A_64 = arith.andi %ne3A_63, %ne3A_59 : i1
      %add3A_65 = arith.addi %rem3A_57, %select_n3A_56 : i32
      %select_n3A_66 = arith.select %and3A_64, %add3A_65, %rem3A_57 : i32
      %mul3A_67 = arith.constant 16 : i32
      %mul3A_68 = arith.muli %select_n3A_66, %mul3A_67 : i32
      %get3A = arith.index_cast %select_n3A : i32 to index
      %get3A_69 = arith.index_cast %mul3A_68 : i32 to index
      %get3A_70 = tpu.vector_load %arg10[%get3A, %get3A_69] {strides = array<i32>} : memref<80x128xi32, #tpu.memory_space<vmem>>, vector<1x16xi32>,
      %get3A_71 = vector.shape_cast %get3A_70 : vector<1x16xi32> to vector<16xi32>
      %get3A_72 = arith.index_cast %select_n3A : i32 to index
      %get3A_73 = arith.index_cast %mul3A_68 : i32 to index
      %get3A_74 = tpu.vector_load %arg12[%get3A_72, %get3A_73] {strides = array<i32>} : memref<80x128xi32, #tpu.memory_space<vmem>>, vector<1x16xi32>,
      %get3A_75 = vector.shape_cast %get3A_74 : vector<1x16xi32> to vector<16xi32>
      %mul3A_76 = arith.constant 100000 : i32
      %mul3A_77 = vector.broadcast %mul3A_76 : i32 to vector<16xi32>
      %mul3A_78 = arith.muli %get3A_75, %mul3A_77 : vector<16xi32>
      %add3A_79 = arith.addi %mul3A_78, %get3A_71 : vector<16xi32>
      %swap3A = arith.index_cast %select_n3A : i32 to index
      %swap3A_80 = arith.index_cast %mul3A_68 : i32 to index
      %swap3A_81 = tpu.vector_load %arg11[%swap3A, %swap3A_80] {strides = array<i32>} : memref<80x128xi32, #tpu.memory_space<vmem>>, vector<1x16xi32>,
      %swap3A_82 = vector.shape_cast %swap3A_81 : vector<1x16xi32> to vector<16xi32>
      %swap3A_83 = vector.shape_cast %add3A_79 : vector<16xi32> to vector<1x16xi32>
      tpu.vector_store %arg11[%swap3A, %swap3A_80], %swap3A_83 {strides = array<i32>} : memref<80x128xi32, #tpu.memory_space<vmem>>, vector<1x16xi32>,
      %get3A_84 = arith.index_cast %select_n3A : i32 to index
      %get3A_85 = arith.index_cast %mul3A_68 : i32 to index
      %get3A_86 = tpu.vector_load %arg13[%get3A_84, %get3A_85] {strides = array<i32>} : memref<80x128xi32, #tpu.memory_space<vmem>>, vector<1x16xi32>,
      %get3A_87 = vector.shape_cast %get3A_86 : vector<1x16xi32> to vector<16xi32>
      %mul3A_88 = arith.constant 100000 : i32
      %mul3A_89 = vector.broadcast %mul3A_88 : i32 to vector<16xi32>
      %mul3A_90 = arith.muli %get3A_87, %mul3A_89 : vector<16xi32>
      %add3A_91 = arith.addi %mul3A_90, %get3A_71 : vector<16xi32>
      %swap3A_92 = arith.index_cast %select_n3A : i32 to index
      %swap3A_93 = arith.index_cast %mul3A_68 : i32 to index
      %swap3A_94 = tpu.vector_load %arg14[%swap3A_92, %swap3A_93] {strides = array<i32>} : memref<80x128xi32, #tpu.memory_space<vmem>>, vector<1x16xi32>,
      %swap3A_95 = vector.shape_cast %swap3A_94 : vector<1x16xi32> to vector<16xi32>
      %swap3A_96 = vector.shape_cast %add3A_91 : vector<16xi32> to vector<1x16xi32>
      tpu.vector_store %arg14[%swap3A_92, %swap3A_93], %swap3A_96 {strides = array<i32>} : memref<80x128xi32, #tpu.memory_space<vmem>>, vector<1x16xi32>,
    }
    %scan3A_17 = arith.constant 640 : i32
    %scan3A_18 = arith.constant 0 : i32
    %scan3A_19 = arith.constant 0 : i32
    %scan3A_20 = arith.constant 80 : i32
    %scan3A_21 = arith.addi %scan3A_19, %scan3A_20 : i32
    %scan3A_22 = arith.constant 1 : i32
    scf.for %scan3A_36 = %scan3A_19 to %scan3A_21 step %scan3A_22  : i32 {
      %dma_start3A = arith.constant 0 : i32
      %dma_start3A_37 = tpu.memref_slice %arg15[%scan3A_36, %dma_start3A] : memref<80x128xf32, #tpu.memory_space<vmem>> -> memref<1x128xf32, #tpu.memory_space<vmem>>
      %dma_start3A_38 = tpu.memref_squeeze %dma_start3A_37 : memref<1x128xf32, #tpu.memory_space<vmem>> -> memref<128xf32, #tpu.memory_space<vmem>>
      %dma_start3A_39 = arith.constant 0 : i32
      %dma_start3A_40 = tpu.memref_slice %arg10[%scan3A_36, %dma_start3A_39] : memref<80x128xi32, #tpu.memory_space<vmem>> -> memref<1x128xi32, #tpu.memory_space<vmem>>
      %dma_start3A_41 = tpu.memref_squeeze %dma_start3A_40 : memref<1x128xi32, #tpu.memory_space<vmem>> -> memref<128xi32, #tpu.memory_space<vmem>>
      %dma_start3A_42 = arith.constant 0 : i32
      %dma_start3A_43 = tpu.memref_slice %arg6[%dma_start3A_42] : memref<100000xf32, #tpu.memory_space<hbm>> -> memref<100000xf32, #tpu.memory_space<hbm>>
      tpu.enqueue_indirect_dma source(%dma_start3A_43 : memref<100000xf32, #tpu.memory_space<hbm>>) target(%dma_start3A_38 : memref<128xf32, #tpu.memory_space<vmem>>) offsets(%dma_start3A_41 : memref<128xi32, #tpu.memory_space<vmem>>) semaphore(%arg18 : memref<!tpu.dma_semaphore, #tpu.memory_space<semaphore_mem>>)
      %dma_start3A_44 = arith.constant 0 : i32
      %dma_start3A_45 = tpu.memref_slice %arg16[%scan3A_36, %dma_start3A_44] : memref<80x128xf32, #tpu.memory_space<vmem>> -> memref<1x128xf32, #tpu.memory_space<vmem>>
      %dma_start3A_46 = tpu.memref_squeeze %dma_start3A_45 : memref<1x128xf32, #tpu.memory_space<vmem>> -> memref<128xf32, #tpu.memory_space<vmem>>
      %dma_start3A_47 = arith.constant 0 : i32
      %dma_start3A_48 = tpu.memref_slice %arg11[%scan3A_36, %dma_start3A_47] : memref<80x128xi32, #tpu.memory_space<vmem>> -> memref<1x128xi32, #tpu.memory_space<vmem>>
      %dma_start3A_49 = tpu.memref_squeeze %dma_start3A_48 : memref<1x128xi32, #tpu.memory_space<vmem>> -> memref<128xi32, #tpu.memory_space<vmem>>
      %dma_start3A_50 = arith.constant 0 : i32
      %dma_start3A_51 = tpu.memref_slice %arg7[%dma_start3A_50] : memref<10000000xf32, #tpu.memory_space<hbm>> -> memref<10000000xf32, #tpu.memory_space<hbm>>
      tpu.enqueue_indirect_dma source(%dma_start3A_51 : memref<10000000xf32, #tpu.memory_space<hbm>>) target(%dma_start3A_46 : memref<128xf32, #tpu.memory_space<vmem>>) offsets(%dma_start3A_49 : memref<128xi32, #tpu.memory_space<vmem>>) semaphore(%arg19 : memref<!tpu.dma_semaphore, #tpu.memory_space<semaphore_mem>>)
      %dma_start3A_52 = arith.constant 0 : i32
      %dma_start3A_53 = tpu.memref_slice %arg17[%scan3A_36, %dma_start3A_52] : memref<80x128xf32, #tpu.memory_space<vmem>> -> memref<1x128xf32, #tpu.memory_space<vmem>>
      %dma_start3A_54 = tpu.memref_squeeze %dma_start3A_53 : memref<1x128xf32, #tpu.memory_space<vmem>> -> memref<128xf32, #tpu.memory_space<vmem>>
      %dma_start3A_55 = arith.constant 0 : i32
      %dma_start3A_56 = tpu.memref_slice %arg14[%scan3A_36, %dma_start3A_55] : memref<80x128xi32, #tpu.memory_space<vmem>> -> memref<1x128xi32, #tpu.memory_space<vmem>>
      %dma_start3A_57 = tpu.memref_squeeze %dma_start3A_56 : memref<1x128xi32, #tpu.memory_space<vmem>> -> memref<128xi32, #tpu.memory_space<vmem>>
      %dma_start3A_58 = arith.constant 0 : i32
      %dma_start3A_59 = tpu.memref_slice %arg8[%dma_start3A_58] : memref<100000000xf32, #tpu.memory_space<hbm>> -> memref<100000000xf32, #tpu.memory_space<hbm>>
      tpu.enqueue_indirect_dma source(%dma_start3A_59 : memref<100000000xf32, #tpu.memory_space<hbm>>) target(%dma_start3A_54 : memref<128xf32, #tpu.memory_space<vmem>>) offsets(%dma_start3A_57 : memref<128xi32, #tpu.memory_space<vmem>>) semaphore(%arg20 : memref<!tpu.dma_semaphore, #tpu.memory_space<semaphore_mem>>)
    }
    %scan3A_23 = arith.constant 80 : i32
    %scan3A_24 = arith.constant 0 : i32
    %scan3A_25 = arith.constant 0 : i32
    %scan3A_26 = arith.constant 80 : i32
    %scan3A_27 = arith.addi %scan3A_25, %scan3A_26 : i32
    %scan3A_28 = arith.constant 1 : i32
    scf.for %scan3A_36 = %scan3A_25 to %scan3A_27 step %scan3A_28  : i32 {
      %dma_wait3A = arith.constant 0 : i32
      %dma_wait3A_37 = tpu.memref_slice %arg15[%scan3A_36, %dma_wait3A] : memref<80x128xf32, #tpu.memory_space<vmem>> -> memref<1x128xf32, #tpu.memory_space<vmem>>
      %dma_wait3A_38 = tpu.memref_squeeze %dma_wait3A_37 : memref<1x128xf32, #tpu.memory_space<vmem>> -> memref<128xf32, #tpu.memory_space<vmem>>
      %dma_wait3A_39 = arith.constant 0 : i32
      %dma_wait3A_40 = tpu.memref_slice %arg10[%scan3A_36, %dma_wait3A_39] : memref<80x128xi32, #tpu.memory_space<vmem>> -> memref<1x128xi32, #tpu.memory_space<vmem>>
      %dma_wait3A_41 = tpu.memref_squeeze %dma_wait3A_40 : memref<1x128xi32, #tpu.memory_space<vmem>> -> memref<128xi32, #tpu.memory_space<vmem>>
      %dma_wait3A_42 = arith.constant 0 : i32
      %dma_wait3A_43 = tpu.memref_slice %arg6[%dma_wait3A_42] : memref<100000xf32, #tpu.memory_space<hbm>> -> memref<100000xf32, #tpu.memory_space<hbm>>
      tpu.wait_indirect_dma semaphore(%arg18 : memref<!tpu.dma_semaphore, #tpu.memory_space<semaphore_mem>>) src(%dma_wait3A_43 : memref<100000xf32, #tpu.memory_space<hbm>>) dst(%dma_wait3A_38 : memref<128xf32, #tpu.memory_space<vmem>>)
      %dma_wait3A_44 = arith.constant 0 : i32
      %dma_wait3A_45 = tpu.memref_slice %arg16[%scan3A_36, %dma_wait3A_44] : memref<80x128xf32, #tpu.memory_space<vmem>> -> memref<1x128xf32, #tpu.memory_space<vmem>>
      %dma_wait3A_46 = tpu.memref_squeeze %dma_wait3A_45 : memref<1x128xf32, #tpu.memory_space<vmem>> -> memref<128xf32, #tpu.memory_space<vmem>>
      %dma_wait3A_47 = arith.constant 0 : i32
      %dma_wait3A_48 = tpu.memref_slice %arg11[%scan3A_36, %dma_wait3A_47] : memref<80x128xi32, #tpu.memory_space<vmem>> -> memref<1x128xi32, #tpu.memory_space<vmem>>
      %dma_wait3A_49 = tpu.memref_squeeze %dma_wait3A_48 : memref<1x128xi32, #tpu.memory_space<vmem>> -> memref<128xi32, #tpu.memory_space<vmem>>
      %dma_wait3A_50 = arith.constant 0 : i32
      %dma_wait3A_51 = tpu.memref_slice %arg7[%dma_wait3A_50] : memref<10000000xf32, #tpu.memory_space<hbm>> -> memref<10000000xf32, #tpu.memory_space<hbm>>
      tpu.wait_indirect_dma semaphore(%arg19 : memref<!tpu.dma_semaphore, #tpu.memory_space<semaphore_mem>>) src(%dma_wait3A_51 : memref<10000000xf32, #tpu.memory_space<hbm>>) dst(%dma_wait3A_46 : memref<128xf32, #tpu.memory_space<vmem>>)
      %dma_wait3A_52 = arith.constant 0 : i32
      %dma_wait3A_53 = tpu.memref_slice %arg17[%scan3A_36, %dma_wait3A_52] : memref<80x128xf32, #tpu.memory_space<vmem>> -> memref<1x128xf32, #tpu.memory_space<vmem>>
      %dma_wait3A_54 = tpu.memref_squeeze %dma_wait3A_53 : memref<1x128xf32, #tpu.memory_space<vmem>> -> memref<128xf32, #tpu.memory_space<vmem>>
      %dma_wait3A_55 = arith.constant 0 : i32
      %dma_wait3A_56 = tpu.memref_slice %arg14[%scan3A_36, %dma_wait3A_55] : memref<80x128xi32, #tpu.memory_space<vmem>> -> memref<1x128xi32, #tpu.memory_space<vmem>>
      %dma_wait3A_57 = tpu.memref_squeeze %dma_wait3A_56 : memref<1x128xi32, #tpu.memory_space<vmem>> -> memref<128xi32, #tpu.memory_space<vmem>>
      %dma_wait3A_58 = arith.constant 0 : i32
      %dma_wait3A_59 = tpu.memref_slice %arg8[%dma_wait3A_58] : memref<100000000xf32, #tpu.memory_space<hbm>> -> memref<100000000xf32, #tpu.memory_space<hbm>>
      tpu.wait_indirect_dma semaphore(%arg20 : memref<!tpu.dma_semaphore, #tpu.memory_space<semaphore_mem>>) src(%dma_wait3A_59 : memref<100000000xf32, #tpu.memory_space<hbm>>) dst(%dma_wait3A_54 : memref<128xf32, #tpu.memory_space<vmem>>)
    }
    %scan3A_29 = arith.constant 80 : i32
    %scan3A_30 = arith.constant 0 : i32
    %scan3A_31 = arith.constant 0 : i32
    %scan3A_32 = arith.constant 640 : i32
    %scan3A_33 = arith.addi %scan3A_31, %scan3A_32 : i32
    %scan3A_34 = arith.constant 1 : i32
    scf.for %scan3A_36 = %scan3A_31 to %scan3A_33 step %scan3A_34  : i32 {
      %jit3A = arith.constant 8 : i32
      %div3A = arith.divsi %scan3A_36, %jit3A : i32
      %sign3A = arith.constant 0 : i32
      %sign3A_37 = arith.cmpi sgt, %scan3A_36, %sign3A : i32
      %sign3A_38 = arith.extui %sign3A_37 : i1 to i32
      %sign3A_39 = arith.constant 0 : i32
      %sign3A_40 = arith.cmpi slt, %scan3A_36, %sign3A_39 : i32
      %sign3A_41 = arith.extui %sign3A_40 : i1 to i32
      %sign3A_42 = arith.subi %sign3A_38, %sign3A_41 : i32
      %sign3A_43 = arith.constant 0 : i32
      %sign3A_44 = arith.cmpi sgt, %jit3A, %sign3A_43 : i32
      %sign3A_45 = arith.extui %sign3A_44 : i1 to i32
      %sign3A_46 = arith.constant 0 : i32
      %sign3A_47 = arith.cmpi slt, %jit3A, %sign3A_46 : i32
      %sign3A_48 = arith.extui %sign3A_47 : i1 to i32
      %sign3A_49 = arith.subi %sign3A_45, %sign3A_48 : i32
      %ne3A = arith.cmpi ne, %sign3A_42, %sign3A_49 : i32
      %rem3A = arith.remsi %scan3A_36, %jit3A : i32
      %ne3A_50 = arith.constant 0 : i32
      %ne3A_51 = arith.cmpi ne, %rem3A, %ne3A_50 : i32
      %and3A = arith.andi %ne3A, %ne3A_51 : i1
      %sub3A = arith.constant 1 : i32
      %sub3A_52 = arith.subi %div3A, %sub3A : i32
      %select_n3A = arith.select %and3A, %sub3A_52, %div3A : i32
      %jit3A_53 = arith.constant 8 : i32
      %eq3A = arith.constant 0 : i32
      %eq3A_54 = arith.cmpi eq, %jit3A_53, %eq3A : i32
      %jit3A_55 = arith.constant 1 : i32
      %select_n3A_56 = arith.select %eq3A_54, %jit3A_55, %jit3A_53 : i32
      %rem3A_57 = arith.remsi %scan3A_36, %select_n3A_56 : i32
      %ne3A_58 = arith.constant 0 : i32
      %ne3A_59 = arith.cmpi ne, %rem3A_57, %ne3A_58 : i32
      %lt3A = arith.constant 0 : i32
      %lt3A_60 = arith.cmpi slt, %rem3A_57, %lt3A : i32
      %lt3A_61 = arith.constant 0 : i32
      %lt3A_62 = arith.cmpi slt, %select_n3A_56, %lt3A_61 : i32
      %ne3A_63 = arith.xori %lt3A_60, %lt3A_62 : i1
      %and3A_64 = arith.andi %ne3A_63, %ne3A_59 : i1
      %add3A_65 = arith.addi %rem3A_57, %select_n3A_56 : i32
      %select_n3A_66 = arith.select %and3A_64, %add3A_65, %rem3A_57 : i32
      %mul3A_67 = arith.constant 16 : i32
      %mul3A_68 = arith.muli %select_n3A_66, %mul3A_67 : i32
      %get3A = arith.index_cast %select_n3A : i32 to index
      %get3A_69 = arith.index_cast %mul3A_68 : i32 to index
      %get3A_70 = tpu.vector_load %arg15[%get3A, %get3A_69] {strides = array<i32>} : memref<80x128xf32, #tpu.memory_space<vmem>>, vector<1x16xf32>,
      %get3A_71 = vector.shape_cast %get3A_70 : vector<1x16xf32> to vector<16xf32>
      %get3A_72 = arith.index_cast %select_n3A : i32 to index
      %get3A_73 = arith.index_cast %mul3A_68 : i32 to index
      %get3A_74 = tpu.vector_load %arg16[%get3A_72, %get3A_73] {strides = array<i32>} : memref<80x128xf32, #tpu.memory_space<vmem>>, vector<1x16xf32>,
      %get3A_75 = vector.shape_cast %get3A_74 : vector<1x16xf32> to vector<16xf32>
      %add3A_76 = arith.addf %get3A_71, %get3A_75 : vector<16xf32>
      %get3A_77 = arith.index_cast %select_n3A : i32 to index
      %get3A_78 = arith.index_cast %mul3A_68 : i32 to index
      %get3A_79 = tpu.vector_load %arg17[%get3A_77, %get3A_78] {strides = array<i32>} : memref<80x128xf32, #tpu.memory_space<vmem>>, vector<1x16xf32>,
      %get3A_80 = vector.shape_cast %get3A_79 : vector<1x16xf32> to vector<16xf32>
      %add3A_81 = arith.addf %add3A_76, %get3A_80 : vector<16xf32>
      %swap3A = arith.index_cast %select_n3A : i32 to index
      %swap3A_82 = arith.index_cast %mul3A_68 : i32 to index
      %swap3A_83 = tpu.vector_load %arg15[%swap3A, %swap3A_82] {strides = array<i32>} : memref<80x128xf32, #tpu.memory_space<vmem>>, vector<1x16xf32>,
      %swap3A_84 = vector.shape_cast %swap3A_83 : vector<1x16xf32> to vector<16xf32>
      %swap3A_85 = vector.shape_cast %add3A_81 : vector<16xf32> to vector<1x16xf32>
      tpu.vector_store %arg15[%swap3A, %swap3A_82], %swap3A_85 {strides = array<i32>} : memref<80x128xf32, #tpu.memory_space<vmem>>, vector<1x16xf32>,
    }
    %scan3A_35 = arith.constant 640 : i32
    "tpu.region"() ({
      %run_scoped3A = tpu.sem_alloc : memref<!tpu.dma_semaphore, #tpu.memory_space<semaphore_mem>>
      %dma_start3A = arith.constant 0 : i32
      %dma_start3A_36 = arith.constant 0 : i32
      %dma_start3A_37 = tpu.memref_slice %arg9[%add3A, %dma_start3A, %dma_start3A_36] : memref<32x80x128xf32, #tpu.memory_space<hbm>> -> memref<1x80x128xf32, #tpu.memory_space<hbm>>
      %dma_start3A_38 = tpu.memref_squeeze %dma_start3A_37 : memref<1x80x128xf32, #tpu.memory_space<hbm>> -> memref<80x128xf32, #tpu.memory_space<hbm>>
      %dma_start3A_39 = arith.constant 0 : i32
      %dma_start3A_40 = arith.constant 0 : i32
      %dma_start3A_41 = tpu.memref_slice %arg9[%add3A, %dma_start3A_39, %dma_start3A_40] : memref<32x80x128xf32, #tpu.memory_space<hbm>> -> memref<1x80x128xf32, #tpu.memory_space<hbm>>
      %dma_start3A_42 = tpu.memref_squeeze %dma_start3A_41 : memref<1x80x128xf32, #tpu.memory_space<hbm>> -> memref<80x128xf32, #tpu.memory_space<hbm>>
      tpu.enqueue_dma source(%arg15 : memref<80x128xf32, #tpu.memory_space<vmem>>) target(%dma_start3A_42 : memref<80x128xf32, #tpu.memory_space<hbm>>) target_semaphore(%run_scoped3A : memref<!tpu.dma_semaphore, #tpu.memory_space<semaphore_mem>>)
      %dma_wait3A = arith.constant 0 : i32
      %dma_wait3A_43 = arith.constant 0 : i32
      %dma_wait3A_44 = tpu.memref_slice %arg9[%add3A, %dma_wait3A, %dma_wait3A_43] : memref<32x80x128xf32, #tpu.memory_space<hbm>> -> memref<1x80x128xf32, #tpu.memory_space<hbm>>
      %dma_wait3A_45 = tpu.memref_squeeze %dma_wait3A_44 : memref<1x80x128xf32, #tpu.memory_space<hbm>> -> memref<80x128xf32, #tpu.memory_space<hbm>>
      %dma_wait3A_46 = arith.constant 0 : i32
      %dma_wait3A_47 = arith.constant 0 : i32
      %dma_wait3A_48 = tpu.memref_slice %arg9[%add3A, %dma_wait3A_46, %dma_wait3A_47] : memref<32x80x128xf32, #tpu.memory_space<hbm>> -> memref<1x80x128xf32, #tpu.memory_space<hbm>>
      %dma_wait3A_49 = tpu.memref_squeeze %dma_wait3A_48 : memref<1x80x128xf32, #tpu.memory_space<hbm>> -> memref<80x128xf32, #tpu.memory_space<hbm>>
      tpu.wait_dma2 semaphore(%run_scoped3A : memref<!tpu.dma_semaphore, #tpu.memory_space<semaphore_mem>>) src(%arg15 : memref<80x128xf32, #tpu.memory_space<vmem>>) dst(%dma_wait3A_49 : memref<80x128xf32, #tpu.memory_space<hbm>>)
      tpu.yield
    }) : () -> ()
    return
  }
}

module attributes {stable_mosaic.version = 14 : i64} {
  func.func @body(%arg0: i32, %arg1: memref<1024x20xf32, #tpu.memory_space<vmem>>, %arg2: memref<1024x20xf32, #tpu.memory_space<vmem>>, %arg3: memref<1024x20xi32, #tpu.memory_space<vmem>>, %arg4: memref<1024x1xf32, #tpu.memory_space<vmem>>) attributes {dimension_semantics = [#tpu.dimension_semantics<arbitrary>], iteration_bounds = array<i64: 16>, scalar_prefetch = 0 : i64, scratch_operands = 0 : i64, tpu.core_type = #tpu.core_type<tc>, window_params = [{transform_indices = @transform_0, window_bounds = array<i64: 1024, 20>}, {transform_indices = @transform_1, window_bounds = array<i64: 1024, 20>}, {transform_indices = @transform_2, window_bounds = array<i64: 1024, 20>}, {transform_indices = @transform_3, window_bounds = array<i64: 1024, 1>}]} {
    %get3A = arith.constant 0 : index
    %get3A_0 = arith.constant 0 : index
    %get3A_1 = vector.load %arg2[%get3A, %get3A_0] : memref<1024x20xf32, #tpu.memory_space<vmem>>, vector<1024x20xf32>
    %get3A_2 = arith.constant 0 : index
    %get3A_3 = arith.constant 0 : index
    %get3A_4 = vector.load %arg1[%get3A_2, %get3A_3] : memref<1024x20xf32, #tpu.memory_space<vmem>>, vector<1024x20xf32>
    %mul3A = arith.mulf %get3A_1, %get3A_4 : vector<1024x20xf32>
    %get3A_5 = arith.constant 0 : index
    %get3A_6 = arith.constant 0 : index
    %get3A_7 = vector.load %arg3[%get3A_5, %get3A_6] : memref<1024x20xi32, #tpu.memory_space<vmem>>, vector<1024x20xi32>
    %ne3A = arith.constant -1 : i32
    %ne3A_8 = vector.broadcast %ne3A : i32 to vector<1024x20xi32>
    %ne3A_9 = arith.cmpi ne, %get3A_7, %ne3A_8 : vector<1024x20xi32>
    %convert_element_type3A = arith.extui %ne3A_9 : vector<1024x20xi1> to vector<1024x20xi32>
    %convert_element_type3A_10 = arith.sitofp %convert_element_type3A : vector<1024x20xi32> to vector<1024x20xf32>
    %min3A = arith.constant 0.000000e+00 : f32
    %min3A_11 = vector.broadcast %min3A : f32 to vector<1024x20xf32>
    %min3A_12 = arith.minimumf %mul3A, %min3A_11 : vector<1024x20xf32>
    %abs3A = math.absf %mul3A : vector<1024x20xf32>
    %neg3A = arith.constant 0.000000e+00 : f32
    %neg3A_13 = vector.broadcast %neg3A : f32 to vector<1024x20xf32>
    %neg3A_14 = arith.subf %neg3A_13, %abs3A : vector<1024x20xf32>
    %exp3A = math.exp %neg3A_14 : vector<1024x20xf32>
    %log1p3A = math.log1p %exp3A : vector<1024x20xf32>
    %sub3A = arith.subf %min3A_12, %log1p3A : vector<1024x20xf32>
    %mul3A_15 = arith.mulf %sub3A, %convert_element_type3A_10 : vector<1024x20xf32>
    %reduce_sum3A = arith.constant dense<0.000000e+00> : vector<1024xf32>
    %reduce_sum3A_16 = vector.multi_reduction <add>, %mul3A_15, %reduce_sum3A [1] : vector<1024x20xf32> to vector<1024xf32>
    %broadcast_in_dim3A = vector.shape_cast %reduce_sum3A_16 : vector<1024xf32> to vector<1024x1xf32>
    %swap3A = arith.constant 0 : index
    %swap3A_17 = arith.constant 0 : index
    %swap3A_18 = vector.load %arg4[%swap3A, %swap3A_17] : memref<1024x1xf32, #tpu.memory_space<vmem>>, vector<1024x1xf32>
    tpu.vector_store %arg4[%swap3A, %swap3A_17], %broadcast_in_dim3A {strides = array<i32>} : memref<1024x1xf32, #tpu.memory_space<vmem>>, vector<1024x1xf32>,
    return
  }
  func.func @transform_0(%arg0: i32) -> (i32, i32) {
    %c0_i32 = arith.constant 0 : i32
    %c0_i32_0 = arith.constant 0 : i32
    return %arg0, %c0_i32 : i32, i32
  }
  func.func @transform_1(%arg0: i32) -> (i32, i32) {
    %c0_i32 = arith.constant 0 : i32
    %c0_i32_0 = arith.constant 0 : i32
    return %arg0, %c0_i32 : i32, i32
  }
  func.func @transform_2(%arg0: i32) -> (i32, i32) {
    %c0_i32 = arith.constant 0 : i32
    %c0_i32_0 = arith.constant 0 : i32
    return %arg0, %c0_i32 : i32, i32
  }
  func.func @transform_3(%arg0: i32) -> (i32, i32) {
    %c0_i32 = arith.constant 0 : i32
    %c0_i32_0 = arith.constant 0 : i32
    return %arg0, %c0_i32 : i32, i32
  }
}

</mosaic_0001>

<sc_bundles>
// kernel: kernel.4.cloned.1.call-start
scs
__scs_entry_jumppad:
0x0: {  	(pc) =	sbr.rel $0x88, $3  }
0x1: {  	(tag) =	ssettag $0x0;
	lr =	simm.s32 $0x1  }
0x2: {  	[smem:$0x3F9A] =	sst lr;
	_ =	strace $0xD0000000  }
0x3: {  	_ = 	snop  }
0x4: {  	_ = 	snop  }
0x5: {  	_ = 	snop  }
0x6: {  	_ = 	snop  }
0x7: {  	_ = 	snop  }
__scs_overlays_trampoline_lowered:
0x8: {  	[smem:$0x3FA9] =	sst s0  }
0x9: {  	[smem:$0x3FAA] =	sst s1  }
0xa: {  	[smem:$0x3FAB] =	sst s2  }
0xb: {  	[smem:$0x3FAC] =	sst s3  }
0xc: {  	[smem:$0x3FAD] =	sst s4  }
0xd: {  	[smem:$0x3FAE] =	sst s5  }
0xe: {  	[smem:$0x3FAF] =	sst s6  }
0xf: {  	[smem:$0x3FB0] =	sst s7  }
0x10: {  	[smem:$0x3FB1] =	sst s8  }
0x11: {  	[smem:$0x3FB2] =	sst s9;
	s0 =	simm.s32 @!p0 $0x0  }
0x12: {  	s1 =	sld [smem:$0x3F98];
	s0 =	simm.s32 @p0 $0x1  }
0x13: {  	[smem:$0x3FB3] =	sst s0;
	s0 =	simm.s32 @!p1 $0x0  }
0x14: {  	s2 =	sld [smem:$0x3F97];
	s0 =	simm.s32 @p1 $0x1  }
0x15: {  	[smem:$0x3FB4] =	sst s0;
	s0 =	simm.s32 @!p2 $0x0  }
0x16: {  	s3 =	sld [smem:$0x3FDB];
	s0 =	simm.s32 @p2 $0x1  }
0x17: {  	s4 =	simm.s32 $0x1BF5;
	[smem:$0x3FB6] =	sst s0  }
0x18: {  	s0 =	sld [smem:$0x3F99];
	_ =	swait.ge [sflag:s4], $0x0  }
0x19: {  	s7 =	sld [smem:$0x3F9A]  }
0x1a: {  	s8 =	sadd.s32 $0xFFFFE003, lr  }
0x1b: {  	s9 =	sadd.s32 $0xFFFFFEF7, lr;
	s5 =	simm.s32 $0xFFFFFFFF;
	p2 =	slt.u32 s8, $0xFFFFF086  }
0x1c: {  	p1 =	slt.u32 s9, $0xF7A;
	s5 =	simm.s32 @!p2 $0x0  }
0x1d: {  	s5 =	simm.s32 @p1 $0x1;
	p0 =	seq.s32 s7, s2  }
0x1e: {  	s7 =	smul.u32 @!p0 $0xF7A, s2;
	p2 =	seq.s32 @!p0 s5, $0x0  }
0x1f: {  	s9 =	smul.u32 $0xF7A, s1;
	s8 =	simm.s32 @!p0 $0x1BF5;
	p2 =	por !p2, p0  }
0x20: {  	[sflag:s8] =	ssyncset.s32 @!p0 $0xFFFFF086;
	s6 =	sadd.s32 @!p0 s3, s7;
	s7 =	simm.s32 @!p0 $0x108  }
0x21: {  	s3 =	sadd.s32 s3, s9;
	s6 =	sadd.s32 @!p0 $0x88, s6;
	s7 =	simm.s32 @p2 $0x1082  }
0x22: {  	[simem:s7], [sflag:s8] =	dma.local @!p0 [hbm:s6], $0xF7A  }
0x23: {  	s9 =	sor.u32 $0xD0000000, s2;
	s6 =	simm.s32 $0x108;
	_ =	swait.ge @!p0 [sflag:s8], $0x0  }
0x24: {  	s3 =	sadd.s32 $0x88, s3;
	s6 =	simm.s32 @!p1 $0x1082;
	[sflag:s4] =	ssyncset.s32 $0xFFFFF086  }
0x25: {  	[simem:s6], [sflag:s4] =	dma.local [hbm:s3], $0xF7A  }
0x26: {  	[smem:$0x3F9A] =	sst s1;
	(tag) =	ssettag s2;
	_ =	strace s9  }
0x27: {  	s1 =	sld [smem:$0x3FAA]  }
0x28: {  	s2 =	sld [smem:$0x3FAB]  }
0x29: {  	s4 =	sld [smem:$0x3FAD]  }
0x2a: {  	p0 =	seq.s32 s5, $0x0;
	s5 =	sld [smem:$0x3FAE]  }
0x2b: {  	s6 =	sld [smem:$0x3FAF]  }
0x2c: {  	s7 =	sld [smem:$0x3FB0]  }
0x2d: {  	s3 =	simm.s32 $0x108;
	s8 =	sld [smem:$0x3FB1]  }
0x2e: {  	s3 =	simm.s32 @!p0 $0x1082;
	s9 =	sld [smem:$0x3FB2]  }
0x2f: {  	lr =	sadd.s32 s0, s3;
	s0 =	sld [smem:$0x3FA9]  }
0x30: {  	s3 =	sld [smem:$0x3FAC]  }
0x31: {  	[smem:$0x3FB5] =	sst s10  }
0x32: {  	s10 =	sld [smem:$0x3FB3];
	_ =	sdelay $0x3  }
0x33: {  	p0 =	seq.s32 s10, $0x1;
	s10 =	sld [smem:$0x3FB5];
	_ =	sdelay $0x3  }
0x34: {  	[smem:$0x3FB5] =	sst s10  }
0x35: {  	s10 =	sld [smem:$0x3FB4];
	_ =	sdelay $0x3  }
0x36: {  	p1 =	seq.s32 s10, $0x1;
	s10 =	sld [smem:$0x3FB5];
	_ =	sdelay $0x3  }
0x37: {  	[smem:$0x3FB5] =	sst s10  }
0x38: {  	s10 =	sld [smem:$0x3FB6]  }
0x39: {  	_ = 	snop;
	(pc) =	sbr.ind lr, $3  }
0x3a: {  	_ = 	snop  }
0x3b: {  	_ = 	snop  }
0x3c: {  	p2 =	seq.s32 s10, $0x1;
	s10 =	sld [smem:$0x3FB5]  }
0x3d: {  	_ =	shalt  }
0x3e: {  	_ =	shalt  }
0x3f: {  	_ =	shalt  }
0x40: {  	_ =	shalt  }
0x41: {  	_ =	shalt  }
0x42: {  	_ =	shalt  }
0x43: {  	_ =	shalt  }
0x44: {  	_ =	shalt  }
0x45: {  	_ =	shalt  }
0x46: {  	_ =	shalt  }
0x47: {  	_ =	shalt  }
0x48: {  	_ =	shalt  }
0x49: {  	_ =	shalt  }
0x4a: {  	_ =	shalt  }
0x4b: {  	_ =	shalt  }
0x4c: {  	_ =	shalt  }
0x4d: {  	_ =	shalt  }
0x4e: {  	_ =	shalt  }
0x4f: {  	_ =	shalt  }
0x50: {  	_ =	shalt  }
0x51: {  	_ =	shalt  }
0x52: {  	_ =	shalt  }
0x53: {  	_ =	shalt  }
0x54: {  	_ =	shalt  }
0x55: {  	_ =	shalt  }
0x56: {  	_ =	shalt  }
0x57: {  	_ =	shalt  }
0x58: {  	_ =	shalt  }
0x59: {  	_ =	shalt  }
0x5a: {  	_ =	shalt  }
0x5b: {  	_ =	shalt  }
0x5c: {  	_ =	shalt  }
0x5d: {  	_ =	shalt  }
0x5e: {  	_ =	shalt  }
0x5f: {  	_ =	shalt  }
0x60: {  	_ =	shalt  }
0x61: {  	_ =	shalt  }
0x62: {  	_ =	shalt  }
0x63: {  	_ =	shalt  }
0x64: {  	_ =	shalt  }
0x65: {  	_ =	shalt  }
0x66: {  	_ =	shalt  }
0x67: {  	_ =	shalt  }
0x68: {  	_ =	shalt  }
0x69: {  	_ =	shalt  }
0x6a: {  	_ =	shalt  }
0x6b: {  	_ =	shalt  }
0x6c: {  	_ =	shalt  }
0x6d: {  	_ =	shalt  }
0x6e: {  	_ =	shalt  }
0x6f: {  	_ =	shalt  }
0x70: {  	_ =	shalt  }
0x71: {  	_ =	shalt  }
0x72: {  	_ =	shalt  }
0x73: {  	_ =	shalt  }
0x74: {  	_ =	shalt  }
0x75: {  	_ =	shalt  }
0x76: {  	_ =	shalt  }
0x77: {  	_ =	shalt  }
0x78: {  	_ =	shalt  }
0x79: {  	_ =	shalt  }
0x7a: {  	_ =	shalt  }
0x7b: {  	_ =	shalt  }
0x7c: {  	_ =	shalt  }
0x7d: {  	_ =	shalt  }
0x7e: {  	_ =	shalt  }
0x7f: {  	_ =	shalt  }
0x80: {  	_ =	shalt  }
0x81: {  	_ =	shalt  }
0x82: {  	_ =	shalt  }
0x83: {  	_ =	shalt  }
0x84: {  	_ =	shalt  }
0x85: {  	_ =	shalt  }
0x86: {  	_ =	shalt  }
0x87: {  	_ =	shalt  }
.Lfunc_end0:
.L_simem_size_0:
called_computation_lowered:
.L_overlay_start_0:
0x88: {  	s2 =	sld [smem:$0x3FD9]  }
0x89: {  	s3 =	sld [smem:$0x3FFE];
	_ =	sdelay $0x1  }
0x8a: {  	s1 =	srdreg.scid  }
0x8b: {  	s0 =	sand.u32 $0x1, s1  }
0x8c: {  	s17 =	sshll.u32 s0, $0xA;
	s2 =	sadd.s32 s3, s2  }
0x8d: {  	s2 =	sadd.s32 s2, s17  }
0x8e: {  	[smem:$0x3FC1] =	sst s2  }
0x8f: {  	_ = 	snop  }
0x90: {  	s2 =	sld [smem:$0x3FC9]  }
0x91: {  	s18 =	sld [smem:$0x3FC8]  }
0x92: {  	s4 =	sld [smem:$0x3FC5];
	(tm) =	ssettm $0x1  }
0x93: {  	s5 =	sld [smem:$0x3FFB];
	_ =	sdelay $0x3  }
0x94: {  	_ =	strace s5  }
0x95: {  	s5 =	sld [smem:$0x3FFC];
	_ =	sdelay $0x3  }
0x96: {  	_ =	strace s5  }
0x97: {  	s5 =	sld [smem:$0x3FFD];
	_ =	sdelay $0x3  }
0x98: {  	_ =	strace s5  }
0x99: {  	_ =	strace $0x8FFFFFFF  }
0x9a: {  	s19 =	sld [smem:$0x3FDB];
	_ =	sdelay $0x1  }
0x9b: {  	s6 =	simm.s32 $_scs_section_size  }
0x9c: {  	s7 =	simm.s32 $_size__tile_overlayer_lowered;
	s8 =	simm.s32 $_tile_overlayer_lowered  }
0x9d: {  	s22 =	simm.s32 $0x1BFF;
	s21 =	sshll.u32 s8, $0x1;
	s5 =	sadd.s32 s6, s19  }
0x9e: {  	s9 =	simm.s32 $0x0;
	s20 =	sshll.u32 s7, $0x1;
	s7 =	sadd.s32 s21, s5  }
0x9f: {  	[timem:s9], [sflag:s22] =	dma.local [hbm:s7], s20  }
0xa0: {  	_ =	swait.ge [sflag:s22], s20  }
0xa1: {  	s6 =	ssub.s32 $0x0, s20;
	[sflag:s22] =	ssyncset.done $0x0  }
0xa2: {  	[sflag:s22] =	ssyncadd.s32 s6;
	_ =	sdelay $0x1  }
0xa3: {  	s23 =	simm.s32 $0x1B8B  }
0xa4: {  	_ =	swait.ge [sflag:s23], $0x1  }
0xa5: {  	[sflag:s23] =	ssyncset.done $0x0  }
0xa6: {  	s25 =	simm.s32 $0x1B8E;
	s24 =	sld [smem:$0x3FFE];
	[sflag:s23] =	ssyncadd.s32 $0xFFFFFFFF  }
0xa7: {  	s26 =	simm.s32 $execute0_lowered;
	[smem:$0x3FD2] =	sst s25  }
0xa8: {  	s7 =	sshll.u32 s26, $0x1;
	_ =	strace $0x80000046;
	[dreg:$0x1] =	wrdreg $0xFFFFFFFF  }
0xa9: {  	s28 =	simm.s32 $_size_execute0_lowered;
	s5 =	sadd.s32 s5, s7;
	[dreg:$0x0] =	wrdreg $0x0  }
0xaa: {  	s7 =	sshll.u32 s28, $0x1;
	[dreg:$0x2] =	wrdreg s5  }
0xab: {  	[dreg:$0x3] =	wrdreg s7  }
0xac: {  	[dreg:$0x4] =	wrdreg $0xC0  }
0xad: {  	_ =	task [dreg:s9], $0x5FFFF  }
0xae: {  	[dreg:$0x1] =	wrdreg $0xFFFFFFFF  }
0xaf: {  	[dreg:$0x0] =	wrdreg $0x60  }
0xb0: {  	[dreg:$0x2] =	wrdreg s24  }
0xb1: {  	[dreg:$0x3] =	wrdreg s2  }
0xb2: {  	[dreg:$0x4] =	wrdreg s18  }
0xb3: {  	[dreg:$0x5] =	wrdreg s4  }
0xb4: {  	[dreg:$0x6] =	wrdreg $0x9  }
0xb5: {  	_ =	task.clear_ibuf [dreg:s9], $0x7FFFF;
	_ =	strace $0x90000046  }
0xb6: {  	s29 =	simm.s32 $0x9;
	_ =	strace $0x80000048  }
0xb7: {  	_ =	swait.ge [sflag:s29], $0x1  }
0xb8: {  	[sflag:s29] =	ssyncadd.s32 $0xFFFFFFFF  }
0xb9: {  	_ =	strace $0x90000048  }
0xba: {  	_ =	sfence  }
0xbb: {  	s30 =	sld [smem:$0x0];
	_ =	sdelay $0x2  }
0xbc: {  	s31 =	sshll.u32 s1, $0xD;
	s1 =	sshrl.u32 s1, $0x2  }
0xbd: {  	s3 =	sand.u32 $0x4000, s31;
	s1 =	sadd.s32 s1, s30  }
0xbe: {  	s0 =	sor.u32 s3, s0;
	s1 =	sshll.u32 s1, $0x11  }
0xbf: {  	s0 =	sor.u32 s1, s0  }
0xc0: {  	s0 =	sadd.s32 $0x8F2B, s0  }
0xc1: {  	[sflag:s0] =	ssyncadd.remote.s32 $0x1  }
0xc2: {  	_ =	sfence.sel $0xFFFF  }
0xc3: {  	[dreg:$0x0] =	wrdreg $0xFFFFFFFF;
	(pc) =	sbr.abs _section_cstart, $3  }
0xc4: {  	[dreg:$0x1] =	wrdreg $0xFFFFFFFF  }
0xc5: {  	_ =	task.clear_ibuf [dreg:s9], $0x2FFFF;
	_ =	strace $0x9FFFFFFF  }
0xc6: {  	(tm) =	ssettm $0x7FFFFFFF  }
0xc7: {  	_ =	shalt  }
tec
execute0_lowered:
.L_overlay_start_1:
0x0: {  	(tag) =	ssettag $0x1  }
0x1: {  	s8 =	rddreg [dreg:$0x0]  }
0x2: {  	s1 =	rddreg [dreg:$0x1]  }
0x3: {  	s3 =	rddreg [dreg:$0x2]  }
0x4: {  	s2 =	srdreg.scid;
	s0 =	stileid.u32  }
0x5: {  	s4 =	rddreg [dreg:$0x3];
	s5 =	simm.s32 $0x0;
	s13 =	simm.s32 $0x2800  }
0x6: {  	s14 =	simm.s32 $0x80;
	s15 =	simm.s32 $0x1;
	s16 =	simm.s32 $0x2  }
0x7: {  	s17 =	simm.s32 $0x3;
	s6 =	sand.u32 $0x1, s2;
	s7 =	sshll.u32 s0, $0x1  }
0x8: {  	s18 =	simm.s32 $0xC800;
	s19 =	simm.s32 $0x0;
	s7 =	sor.u32 s6, s7  }
0x9: {  	[smem:$0x7FF] =	sst s5;
	s10 =	ssub.s32 $0x2, s6;
	s9 =	smul.u32 $0x500, s7  }
0xa: {  	s2 =	rddreg [dreg:$0x4];
	_ =	strace $0x80000047;
	s11 =	sshrl.u32 s10, $0x1  }
0xb: {  	s6 =	sadd.s32 $0xC40200, s8;
	s11 =	ssub.s32 s10, s11;
	s12 =	sadd.s32 s9, s8  }
0xc: {  	s7 =	sadd.s32 $0x54400, s8;
	s11 =	smax.u32 s11, $0x1;
	s8 =	sadd.s32 $0x4A400, s12  }
0xd: {  	s9 =	sadd.s32 $0x400, s12;
	s10 =	sadd.s32 $0xD71600, s12;
	s12 =	simm.s32 $0x4  }
.LBB2_1:
0xe: {  	[tilespmem:s5], [sflag:$0x4] =	stream.linear.gather [hbm4b:s8+s5], $0x2800, $0x38;
	[tilespmem:$0x14000] =	vst v63  }
0xf: {  	_ =	swait.ge [sflag:s12], $0x2800  }
0x10: {  	[sflag:s12] =	ssyncset.done $0x0  }
0x11: {  	[sflag:s12] =	ssyncadd.s32 $0xFFFFD800  }
0x12: {  	[tilespmem:s13], [sflag:$0x4] =	stream.linear.gather [hbm4b:s9+s5], $0x2800, $0x38;
	[tilespmem:$0x14000] =	vst v63  }
0x13: {  	_ =	swait.ge [sflag:s12], $0x2800  }
0x14: {  	[sflag:s12] =	ssyncset.done $0x0  }
0x15: {  	s20 =	simm.s32 $0x5000;
	s21 =	simm.s32 $0x2800;
	[sflag:s12] =	ssyncadd.s32 $0xFFFFD800  }
0x16: {  	[tilespmem:s20], [sflag:$0x1] =	stream.indirect.gather [hbm4b:s1+s14], $0x1, s21, s14, $0xb8;
	[tilespmem:$0x14000] =	vst v63  }
0x17: {  	s22 =	simm.s32 $0x7800;
	s20 =	simm.s32 $0x200  }
.LBB2_2:
0x18: {  	[tilespmem:s22], [sflag:$0x2] =	stream.indirect.gather [hbm4b:s3+s14], $0x1, s21, s14, $0xb8;
	[tilespmem:$0x14000] =	vst v63  }
0x19: {  	s21 =	smov.u32 s20;
	p0 =	sne.s32 s20, $0x9E00  }
.Ltmp0:
0x1a: {  	s20 =	sadd.s32 $0x200, s20;
	(pc) =	sbr.rel @p0 .LBB2_2-.Ltmp0, $4  }
0x1b: {  	s22 =	sshra.s32 s21, $0x2  }
0x1c: {  	s23 =	sadd.s32 $0x5000, s22;
	s21 =	sadd.s32 $0x2800, s22  }
0x1d: {  	[tilespmem:s23], [sflag:$0x1] =	stream.indirect.gather [hbm4b:s1+s14], $0x1, s21, s14, $0xb8;
	[tilespmem:$0x14000] =	vst v63  }
0x1e: {  	s22 =	sadd.s32 $0x7800, s22  }
0x1f: {  	[tilespmem:s22], [sflag:$0x2] =	stream.indirect.gather [hbm4b:s3+s14], $0x1, s21, s14, $0xb8;
	[tilespmem:$0x14000] =	vst v63  }
0x20: {  	_ =	swait.ge [sflag:s15], $0x80  }
0x21: {  	[sflag:s15] =	ssyncset.done $0x0  }
0x22: {  	[sflag:s15] =	ssyncadd.s32 $0xFFFFFF80  }
0x23: {  	_ =	swait.ge [sflag:s16], $0x80  }
0x24: {  	s20 =	simm.s32 $0x4F;
	[sflag:s16] =	ssyncset.done $0x0  }
.LBB2_4:
0x25: {  	p0 =	sne.s32 s20, $0x1;
	s20 =	sadd.s32 $0xFFFFFFFF, s20;
	[sflag:s16] =	ssyncadd.s32 $0xFFFFFF80  }
.Ltmp1:
0x26: {  	_ =	swait.ge [sflag:s15], $0x80;
	(pc) =	sbr.rel @p0 .LBB2_4-.Ltmp1, $4  }
0x27: {  	[sflag:s15] =	ssyncset.done $0x0  }
0x28: {  	[sflag:s15] =	ssyncadd.s32 $0xFFFFFF80  }
0x29: {  	_ =	swait.ge [sflag:s16], $0x80  }
0x2a: {  	[sflag:s16] =	ssyncset.done $0x0  }
0x2b: {  	[sflag:s16] =	ssyncadd.s32 $0xFFFFFF80;
	s20 =	simm.s32 $0x0  }
0x2c: {  	v1 =	vld [tilespmem:s20+$0x7800]  }
0x2d: {  	v2 =	vld [tilespmem:s20+$0x5000]  }
0x2e: {  	v0 =	vld [tilespmem:s20+$0x0]  }
0x2f: {  	s22 =	simm.s32 $0x40;
	s21 =	simm.s32 $0x0  }
.LBB2_6:
0x30: {  	p0 =	sne.s32 s22, $0x9FC0  }
.Ltmp2:
0x31: {  	s23 =	sshra.s32 s22, $0x2;
	s22 =	sadd.s32 $0x40, s22;
	v3 =	vmul.u32 $0x186A0, v1;
	(pc) =	sbr.rel @p0 .LBB2_6-.Ltmp2, $4  }
0x32: {  	v1 =	vld [tilespmem:s23+$0x7800];
	v4 =	vmul.u32 $0x186A0, v2  }
0x33: {  	v2 =	vld [tilespmem:s23+$0x5000];
	v3 =	vadd.s32 v0, v3  }
0x34: {  	v4 =	vadd.s32 v0, v4;
	v0 =	vld [tilespmem:s23+$0x0];
	[tilespmem:s21+$0xA000] =	vst v3  }
0x35: {  	[tilespmem:s21+$0x2800] =	vst v4;
	s21 =	smov.u32 s23  }
0x36: {  	_ = 	snop  }
0x37: {  	v1 =	vmul.u32 $0x186A0, v1  }
0x38: {  	v2 =	vmul.u32 $0x186A0, v2  }
0x39: {  	v1 =	vadd.s32 v0, v1  }
0x3a: {  	v63 =	vadd.s32 v0, v2;
	[tilespmem:s21+$0xA000] =	vst v1  }
0x3b: {  	s30 =	simm.s32 $0xC800;
	[tilespmem:s21+$0x2800] =	vst v63  }
0x3c: {  	[tilespmem:s30], [sflag:$0x1] =	stream.indirect.gather [hbm4b:s4+s14], $0x1, s20, s14, $0xb8;
	[tilespmem:$0x14000] =	vst v63  }
0x3d: {  	s31 =	simm.s32 $0xF000;
	s22 =	simm.s32 $0x2800;
	s21 =	simm.s32 $0x200  }
0x3e: {  	[tilespmem:s31], [sflag:$0x2] =	stream.indirect.gather [hbm4b:s6+s14], $0x1, s22, s14, $0xb8;
	[tilespmem:$0x14000] =	vst v63  }
.LBB2_8:
0x3f: {  	s22 =	sadd.s32 $0x11800, s20  }
0x40: {  	s23 =	sadd.s32 $0xA000, s20;
	s20 =	sshra.s32 s21, $0x2;
	p0 =	sne.s32 s21, $0x9E00  }
0x41: {  	[tilespmem:s22], [sflag:$0x3] =	stream.indirect.gather [hbm4b:s7+s14], $0x1, s23, s14, $0xb8;
	[tilespmem:$0x14000] =	vst v63  }
.Ltmp3:
0x42: {  	_ = 	snop;
	(pc) =	sbr.rel @p0 .LBB2_8-.Ltmp3, $4  }
0x43: {  	s21 =	sadd.s32 $0x200, s21;
	s22 =	sadd.s32 $0xC800, s20  }
0x44: {  	[tilespmem:s22], [sflag:$0x1] =	stream.indirect.gather [hbm4b:s4+s14], $0x1, s20, s14, $0xb8;
	[tilespmem:$0x14000] =	vst v63  }
0x45: {  	s23 =	sadd.s32 $0x2800, s20;
	s22 =	sadd.s32 $0xF000, s20  }
0x46: {  	[tilespmem:s22], [sflag:$0x2] =	stream.indirect.gather [hbm4b:s6+s14], $0x1, s23, s14, $0xb8;
	[tilespmem:$0x14000] =	vst v63  }
0x47: {  	s21 =	sadd.s32 $0x11800, s20;
	s31 =	sadd.s32 $0xA000, s20  }
0x48: {  	[tilespmem:s21], [sflag:$0x3] =	stream.indirect.gather [hbm4b:s7+s14], $0x1, s31, s14, $0xb8;
	[tilespmem:$0x14000] =	vst v63  }
0x49: {  	_ =	swait.ge [sflag:s15], $0x80  }
0x4a: {  	[sflag:s15] =	ssyncset.done $0x0  }
0x4b: {  	[sflag:s15] =	ssyncadd.s32 $0xFFFFFF80  }
0x4c: {  	_ =	swait.ge [sflag:s16], $0x80  }
0x4d: {  	[sflag:s16] =	ssyncset.done $0x0  }
0x4e: {  	[sflag:s16] =	ssyncadd.s32 $0xFFFFFF80  }
0x4f: {  	_ =	swait.ge [sflag:s17], $0x80  }
0x50: {  	s20 =	simm.s32 $0x4F;
	[sflag:s17] =	ssyncset.done $0x0  }
.LBB2_10:
0x51: {  	p0 =	sne.s32 s20, $0x1;
	s20 =	sadd.s32 $0xFFFFFFFF, s20;
	[sflag:s17] =	ssyncadd.s32 $0xFFFFFF80  }
0x52: {  	_ =	swait.ge [sflag:s15], $0x80  }
0x53: {  	[sflag:s15] =	ssyncset.done $0x0  }
0x54: {  	[sflag:s15] =	ssyncadd.s32 $0xFFFFFF80  }
.Ltmp4:
0x55: {  	_ =	swait.ge [sflag:s16], $0x80;
	(pc) =	sbr.rel @p0 .LBB2_10-.Ltmp4, $4  }
0x56: {  	[sflag:s16] =	ssyncset.done $0x0  }
0x57: {  	[sflag:s16] =	ssyncadd.s32 $0xFFFFFF80  }
0x58: {  	_ =	swait.ge [sflag:s17], $0x80  }
0x59: {  	[sflag:s17] =	ssyncset.done $0x0  }
0x5a: {  	[sflag:s17] =	ssyncadd.s32 $0xFFFFFF80;
	s20 =	simm.s32 $0x0  }
0x5b: {  	s21 =	simm.s32 $0x40;
	v0 =	vld [tilespmem:s20+$0xF000]  }
.LBB2_12:
0x5c: {  	p0 =	sne.s32 s21, $0x9FC0;
	v1 =	vld [tilespmem:s20+$0xC800];
	_ =	sdelay $0x1  }
0x5d: {  	v2 =	vld [tilespmem:s20+$0x11800];
	_ =	sdelay $0x2  }
.Ltmp5:
0x5e: {  	v0 =	vadd.f32 v0, v1;
	(pc) =	sbr.rel @p0 .LBB2_12-.Ltmp5, $4  }
0x5f: {  	_ = 	snop  }
0x60: {  	v1 =	vadd.f32 v2, v0  }
0x61: {  	s22 =	sshra.s32 s21, $0x2  }
0x62: {  	s21 =	sadd.s32 $0x40, s21;
	v0 =	vld [tilespmem:s22+$0xF000];
	[tilespmem:s20+$0xC800] =	vst v1;
	s20 =	smov.u32 s22  }
0x63: {  	v1 =	vld [tilespmem:s20+$0xC800];
	_ =	sdelay $0x1  }
0x64: {  	v2 =	vld [tilespmem:s20+$0x11800];
	_ =	sdelay $0x2  }
0x65: {  	v0 =	vadd.f32 v0, v1;
	_ =	sdelay $0x1  }
0x66: {  	s19 =	sadd.s32 $0x1, s19;
	v0 =	vadd.f32 v2, v0  }
0x67: {  	p0 =	sne.s32 s19, s11  }
.Ltmp6:
0x68: {  	[tilespmem:s20+$0xC800] =	vst v0;
	(pc) =	sbr.rel @p0 .LBB2_1-.Ltmp6, $4  }
0x69: {  	[hbm4b:s10+s5] =	stream.linear.scatter [tilespmem:s18], [sflag:$0x4], $0x2800, $0x38;
	[tilespmem:$0x14000] =	vst v63  }
0x6a: {  	_ =	swait.ge [sflag:s12], $0x2800  }
0x6b: {  	[sflag:s12] =	ssyncset.done $0x0  }
0x6c: {  	[sflag:s12] =	ssyncadd.s32 $0xFFFFD800  }
0x6d: {  	_ =	sfence.sel $0x180000  }
0x6e: {  	[bflag:$0x0] =	sbarrier.arrive $0xFFFF  }
0x6f: {  	p0 =	sne.s32 s0, $0x0;
	_ =	strace $0x90000047  }
0x70: {  	s0 =	sadd.s32 @!p0 $0x100000, s2;
	[bflag:$0x2] =	sbarrier.arrive $0xFFFF  }
0x71: {  	[sflag:s0] =	ssyncadd.tile.s32 @!p0 $0x1;
	_ =	shalt  }
.Lfunc_end2:
_tile_overlayer_lowered:
.L_overlay_start_2:
0x72: {  	(tag) =	ssettag $0x2  }
0x73: {  	s0 =	rddreg [dreg:$0x0];
	s2 =	stileid.u32  }
0x74: {  	s1 =	rddreg [dreg:$0x1];
	p0 =	sne.s32 s2, $0x0  }
0x75: {  	s3 =	rddreg [dreg:$0x2];
	[bflag:$0x3] =	sbarrier.arrive $0xFFFF;
	s2 =	simm.s32 @!p0 $0x1C04  }
0x76: {  	[timem:s3], [sflag:s2] =	dma.local @!p0 [hbm:s0], s1  }
0x77: {  	s0 =	simm.s32 @!p0 $0x4  }
0x78: {  	_ =	swait.ge @!p0 [sflag:s0], s1  }
0x79: {  	s1 =	ssub.s32 @!p0 $0x0, s1;
	[sflag:s0] =	ssyncset.done @!p0 $0x0  }
0x7a: {  	[sflag:s0] =	ssyncadd.s32 @!p0 s1  }
0x7b: {  	[bflag:$0x3] =	sbarrier.arrive $0xFFFF  }
0x7c: {  	_ =	shalt  }

</sc_bundles>
